<compile_context>
chip_gen: v7x
topology: tpu7x:2x2x1
jax: 0.10.2.dev20260603
libtpu: 0.0.44.dev20260713+nightly
codegen_flags: <defaults>
</compile_context>

<pallas_src>
import functools

import jax
import jax.numpy as jnp
from jax import lax
from jax.experimental import pallas as pl
from jax.experimental.pallas import tpu as pltpu
from jax.experimental.pallas import tpu_sc as plsc

BR = 512



CB = 8192


def _concat_body(ut_ref, it_ref, out_ref):
    dd = 2 * ut_ref.shape[0]
    z = jnp.concatenate([ut_ref[...], it_ref[...]], axis=0)
    rows = lax.broadcasted_iota(jnp.int32, (dd, dd), 0)
    cols = lax.broadcasted_iota(jnp.int32, (dd, dd), 1)
    eye = jnp.where(rows == cols, 1.0, 0.0).astype(jnp.float32)
    out_ref[...] = lax.dot_general(z, eye, (((0,), (0,)), ((), ())),
                                   preferred_element_type=jnp.float32)


def _concat_tables(ut, it):
    d, n = ut.shape
    nblk = (n + CB - 1) // CB
    return pl.pallas_call(
        _concat_body,
        grid=(nblk,),
        in_specs=[
            pl.BlockSpec((d, CB), lambda c: (0, c)),
            pl.BlockSpec((d, CB), lambda c: (0, c)),
        ],
        out_specs=pl.BlockSpec((CB, 2 * d), lambda c: (c, 0)),
        out_shape=jax.ShapeDtypeStruct((n, 2 * d), jnp.float32),
    )(ut, it)



def _gather_call(user_idx, item_idx, both_tables):
    b = user_idx.shape[0]
    dd = both_tables.shape[1]
    info = plsc.get_sparse_core_info()
    nw = info.num_cores * info.num_subcores
    b_per_w = b // nw
    mesh = plsc.VectorSubcoreMesh(core_axis_name="c", subcore_axis_name="s")

    @functools.partial(
        pl.kernel,
        mesh=mesh,
        out_type=[
            jax.ShapeDtypeStruct((b, dd), jnp.float32),
            jax.ShapeDtypeStruct((b, dd), jnp.float32),
        ],
        scratch_types=[
            pltpu.VMEM((b_per_w,), jnp.int32),
            pltpu.VMEM((b_per_w, dd), jnp.float32),
            pltpu.VMEM((b_per_w,), jnp.int32),
            pltpu.VMEM((b_per_w, dd), jnp.float32),
            pltpu.SemaphoreType.DMA,
            pltpu.SemaphoreType.DMA,
        ],
    )
    def _gather(uidx_hbm, iidx_hbm, tab_hbm, uout_hbm, iout_hbm,
                uidx_v, urows_v, iidx_v, irows_v, usem, isem):
        wid = lax.axis_index("s") * info.num_cores + lax.axis_index("c")
        base = wid * b_per_w
        sl = pl.ds(base, b_per_w)
        pltpu.sync_copy(uidx_hbm.at[sl], uidx_v)
        pltpu.sync_copy(iidx_hbm.at[sl], iidx_v)
        ucp = pltpu.async_copy(tab_hbm.at[uidx_v], urows_v, usem)
        icp = pltpu.async_copy(tab_hbm.at[iidx_v], irows_v, isem)
        ucp.wait()
        pltpu.sync_copy(urows_v, uout_hbm.at[sl])
        icp.wait()
        pltpu.sync_copy(irows_v, iout_hbm.at[sl])

    return _gather(user_idx, item_idx, both_tables)



def _prop_body(a1_ref, a2_ref, u0_ref, i0_ref, out_ref,
               abf, u0v, i0v, u0bf, u_a, u_b, su, it_a, it_b, siT,
               sem_u, sem_i):
    r = pl.program_id(0)
    nblk = pl.num_programs(0)
    f32 = jnp.float32
    bf16 = jnp.bfloat16

    d = u0v.shape[1] // 2
    b = u0_ref.shape[0]
    h = b // 2
    blk_r = pl.ds(r * BR, BR)

    abf[blk_r, :h] = a1_ref[...].astype(bf16)
    abf[blk_r, h:] = a2_ref[...].astype(bf16)

    @pl.when(r == 0)
    def _():
        cu = pltpu.make_async_copy(u0_ref, u0v, sem_u)
        cu.start()
        pltpu.make_async_copy(i0_ref, i0v, sem_i).start()
        cu.wait()
        u0bf[...] = u0v[:, :d].astype(bf16)

    x = jnp.dot(abf[blk_r, :], u0bf[...], preferred_element_type=f32)
    u_a[blk_r, :] = x.astype(bf16)
    su[blk_r, :] = u0v[blk_r, :d] + x

    @pl.when(r == nblk - 1)
    def _epilogue():
        pltpu.make_async_copy(i0_ref, i0v, sem_i).wait()
        out_ref[...] = su[:, :1] + i0v[:, :1]
        return
        eb = 2048
        n_eb = b // eb

        pltpu.make_async_copy(i0_ref, i0v, sem_i).wait()
        i0T = lax.transpose(i0v[...], (1, 0))
        it_a[...] = i0T[d:, :].astype(bf16)

        def item_layer(src, dst, first):
            itb = src[...]
            for cc in range(n_eb):
                cb = slice(cc * eb, (cc + 1) * eb)
                x = jnp.dot(itb, abf[:, cb], preferred_element_type=f32)
                if dst is not None:
                    dst[:, cb] = x.astype(bf16)
                if first:
                    siT[:, cb] = x
                else:
                    siT[:, cb] = siT[:, cb] + x

        item_layer(it_a, it_b, True)
        item_layer(it_b, it_a, False)
        item_layer(it_a, None, False)

        def user_layer(src, dst):
            ub = src[...]
            for rr in range(n_eb):
                rb = slice(rr * eb, (rr + 1) * eb)
                x = jnp.dot(abf[rb, :], ub, preferred_element_type=f32)
                if dst is not None:
                    dst[rb, :] = x.astype(bf16)
                su[rb, :] = su[rb, :] + x

        user_layer(u_a, u_b)
        user_layer(u_b, None)

        suv = su[...] * 0.25
        fi0 = i0v[:, d:] * 0.25
        term1 = jnp.sum(suv * fi0, axis=1, keepdims=True)
        siv = (siT[...] * 0.25).astype(bf16)
        sub = suv.astype(bf16)
        rows = lax.broadcasted_iota(jnp.int32, (BR, BR), 0)
        cols = lax.broadcasted_iota(jnp.int32, (BR, BR), 1)
        eye = rows == cols
        for nb in range(b // BR):
            p = jnp.dot(sub[nb * BR:(nb + 1) * BR, :],
                        siv[:, nb * BR:(nb + 1) * BR],
                        preferred_element_type=f32)
            term2 = jnp.sum(jnp.where(eye, p, 0.0),
                            axis=1, keepdims=True)
            scores = term1[nb * BR:(nb + 1) * BR, :] + term2
            out_ref[pl.ds(nb * BR, BR), :] = jax.nn.sigmoid(scores)


def _prop_call(adj, gu, gi):
    b, dd = gu.shape
    d = dd // 2
    nblk = b // BR
    return pl.pallas_call(
        _prop_body,
        grid=(nblk,),
        in_specs=[
            pl.BlockSpec((BR, b // 2), lambda r: (r, 0)),
            pl.BlockSpec((BR, b // 2), lambda r: (r, 1)),
            pl.BlockSpec(memory_space=pl.ANY),
            pl.BlockSpec(memory_space=pl.ANY),
        ],
        out_specs=pl.BlockSpec((b, 1), lambda r: (0, 0)),
        out_shape=jax.ShapeDtypeStruct((b, 1), jnp.float32),
        scratch_shapes=[
            pltpu.VMEM((b, b), jnp.bfloat16),
            pltpu.VMEM((b, dd), jnp.float32),
            pltpu.VMEM((b, dd), jnp.float32),
            pltpu.VMEM((b, d), jnp.bfloat16),
            pltpu.VMEM((b, d), jnp.bfloat16),
            pltpu.VMEM((b, d), jnp.bfloat16),
            pltpu.VMEM((b, d), jnp.float32),
            pltpu.VMEM((d, b), jnp.bfloat16),
            pltpu.VMEM((d, b), jnp.bfloat16),
            pltpu.VMEM((d, b), jnp.float32),
            pltpu.SemaphoreType.DMA,
            pltpu.SemaphoreType.DMA,
        ],
        compiler_params=pltpu.CompilerParams(
            vmem_limit_bytes=100 * 1024 * 1024,
        ),
    )(adj, adj, gu, gi)


def kernel(user_indices, item_indices, adj_matrix, user_table, item_table):
    ui = user_indices.astype(jnp.int32)
    ii = item_indices.astype(jnp.int32)
    tab = _concat_tables(user_table.T, item_table.T)
    gu, gi = _gather_call(ui, ii, tab)
    preds = _prop_call(adj_matrix, gu, gi)
    return preds.reshape(user_indices.shape[0])

# --- scband reference (transcript-rebuilt; emitter-appended) ---
"""Pipeline reference for scband-light-gcn-63720134803628 (READ-ONLY COPY).

The authoritative reference and input builder live on the scoring server;
editing this copy changes nothing except your own understanding.
"""

import jax, jax.numpy as jnp
import numpy as np

N_USERS = 100000
N_ITEMS = 100000
EMB = 64
N_LAYERS = 3
B = 4096


def setup_inputs(seed: int = 0) -> dict:
    key = jax.random.key(seed)
    k1, k2, k3, k4, k5, k6 = jax.random.split(key, 6)
    user_indices = jax.random.randint(k1, (B,), 0, N_USERS)
    item_indices = jax.random.randint(k2, (B,), 0, N_ITEMS)
    # adj_matrix: emulate a normalized (sparse-pattern) adjacency, stored dense.
    vals = jax.random.uniform(k3, (B, B), dtype=jnp.float32)
    mask = (jax.random.uniform(k4, (B, B)) < 0.01).astype(jnp.float32)
    adj_matrix = vals * mask / 41.0
    user_table = jax.random.normal(k5, (N_USERS, EMB), dtype=jnp.float32) * 0.1
    item_table = jax.random.normal(k6, (N_ITEMS, EMB), dtype=jnp.float32) * 0.1
    return {
        "user_indices": user_indices,
        "item_indices": item_indices,
        "adj_matrix": adj_matrix,
        "user_table": user_table,
        "item_table": item_table,
    }


def reference(user_indices, item_indices, adj_matrix, user_table, item_table):
    # embedding lookups (gather)
    user_emb = jnp.take(user_table, user_indices, axis=0)
    item_emb = jnp.take(item_table, item_indices, axis=0)
    all_user = [user_emb]
    all_item = [item_emb]
    for _ in range(N_LAYERS):
        user_emb = adj_matrix @ user_emb
        item_emb = adj_matrix.T @ item_emb
        all_user.append(user_emb)
        all_item.append(item_emb)
    final_user = jnp.mean(jnp.stack(all_user, axis=1), axis=1)
    final_item = jnp.mean(jnp.stack(all_item, axis=1), axis=1)
    scores = jnp.sum(final_user * final_item, axis=1)
    predictions = jax.nn.sigmoid(scores)
    return predictions

if __name__ == "__main__":
    import jax
    _d = setup_inputs()
    print(jax.jit(kernel)(*tuple(_d.values())))

</pallas_src>

<mosaic_0001>
#map = affine_map<(d0, d1) -> (0)>
#map1 = affine_map<(d0, d1) -> (0, 0)>
module attributes {stable_mosaic.version = 14 : i64} {
  func.func @_gather(%arg0: i32, %arg1: i32, %arg2: memref<4096xi32, #tpu.memory_space<hbm>>, %arg3: memref<4096xi32, #tpu.memory_space<hbm>>, %arg4: memref<100000x128xf32, #tpu.memory_space<hbm>>, %arg5: memref<4096x128xf32, #tpu.memory_space<hbm>>, %arg6: memref<4096x128xf32, #tpu.memory_space<hbm>>, %arg7: memref<128xi32, #tpu.memory_space<vmem>>, %arg8: memref<128x128xf32, #tpu.memory_space<vmem>>, %arg9: memref<128xi32, #tpu.memory_space<vmem>>, %arg10: memref<128x128xf32, #tpu.memory_space<vmem>>, %arg11: memref<!tpu.dma_semaphore, #tpu.memory_space<semaphore_mem>>, %arg12: memref<!tpu.dma_semaphore, #tpu.memory_space<semaphore_mem>>) attributes {dimension_semantics = [#tpu.dimension_semantics<core_parallel>, #tpu.dimension_semantics<subcore_parallel>], iteration_bounds = array<i64: 2, 16>, scalar_prefetch = 0 : i64, scratch_operands = 6 : i64, tpu.core_type = #tpu.core_type<sc_vector_subcore>, window_params = [{transform_indices = #map}, {transform_indices = #map}, {transform_indices = #map1}, {transform_indices = #map1}, {transform_indices = #map1}]} {
    %mul3A = arith.constant 2 : i32
    %mul3A_0 = arith.muli %arg1, %mul3A : i32
    %add3A = arith.addi %mul3A_0, %arg0 : i32
    %mul3A_1 = arith.constant 128 : i32
    %mul3A_2 = arith.muli %add3A, %mul3A_1 : i32
    "tpu.region"() ({
      %run_scoped3A = tpu.sem_alloc : memref<!tpu.dma_semaphore, #tpu.memory_space<semaphore_mem>>
      %dma_start3A_13 = tpu.memref_slice %arg2[%mul3A_2] : memref<4096xi32, #tpu.memory_space<hbm>> -> memref<128xi32, #tpu.memory_space<hbm>>
      %dma_start3A_14 = tpu.memref_slice %arg2[%mul3A_2] : memref<4096xi32, #tpu.memory_space<hbm>> -> memref<128xi32, #tpu.memory_space<hbm>>
      tpu.enqueue_dma source(%dma_start3A_14 : memref<128xi32, #tpu.memory_space<hbm>>) target(%arg7 : memref<128xi32, #tpu.memory_space<vmem>>) target_semaphore(%run_scoped3A : memref<!tpu.dma_semaphore, #tpu.memory_space<semaphore_mem>>)
      %dma_wait3A_15 = tpu.memref_slice %arg2[%mul3A_2] : memref<4096xi32, #tpu.memory_space<hbm>> -> memref<128xi32, #tpu.memory_space<hbm>>
      %dma_wait3A_16 = tpu.memref_slice %arg2[%mul3A_2] : memref<4096xi32, #tpu.memory_space<hbm>> -> memref<128xi32, #tpu.memory_space<hbm>>
      tpu.wait_dma2 semaphore(%run_scoped3A : memref<!tpu.dma_semaphore, #tpu.memory_space<semaphore_mem>>) src(%dma_wait3A_16 : memref<128xi32, #tpu.memory_space<hbm>>) dst(%arg7 : memref<128xi32, #tpu.memory_space<vmem>>)
      tpu.yield
    }) : () -> ()
    "tpu.region"() ({
      %run_scoped3A = tpu.sem_alloc : memref<!tpu.dma_semaphore, #tpu.memory_space<semaphore_mem>>
      %dma_start3A_13 = tpu.memref_slice %arg3[%mul3A_2] : memref<4096xi32, #tpu.memory_space<hbm>> -> memref<128xi32, #tpu.memory_space<hbm>>
      %dma_start3A_14 = tpu.memref_slice %arg3[%mul3A_2] : memref<4096xi32, #tpu.memory_space<hbm>> -> memref<128xi32, #tpu.memory_space<hbm>>
      tpu.enqueue_dma source(%dma_start3A_14 : memref<128xi32, #tpu.memory_space<hbm>>) target(%arg9 : memref<128xi32, #tpu.memory_space<vmem>>) target_semaphore(%run_scoped3A : memref<!tpu.dma_semaphore, #tpu.memory_space<semaphore_mem>>)
      %dma_wait3A_15 = tpu.memref_slice %arg3[%mul3A_2] : memref<4096xi32, #tpu.memory_space<hbm>> -> memref<128xi32, #tpu.memory_space<hbm>>
      %dma_wait3A_16 = tpu.memref_slice %arg3[%mul3A_2] : memref<4096xi32, #tpu.memory_space<hbm>> -> memref<128xi32, #tpu.memory_space<hbm>>
      tpu.wait_dma2 semaphore(%run_scoped3A : memref<!tpu.dma_semaphore, #tpu.memory_space<semaphore_mem>>) src(%dma_wait3A_16 : memref<128xi32, #tpu.memory_space<hbm>>) dst(%arg9 : memref<128xi32, #tpu.memory_space<vmem>>)
      tpu.yield
    }) : () -> ()
    %dma_start3A = arith.constant 0 : i32
    %dma_start3A_3 = arith.constant 0 : i32
    %dma_start3A_4 = tpu.memref_slice %arg4[%dma_start3A, %dma_start3A_3] : memref<100000x128xf32, #tpu.memory_space<hbm>> -> memref<100000x128xf32, #tpu.memory_space<hbm>>
    tpu.enqueue_indirect_dma source(%dma_start3A_4 : memref<100000x128xf32, #tpu.memory_space<hbm>>) target(%arg8 : memref<128x128xf32, #tpu.memory_space<vmem>>) offsets(%arg7 : memref<128xi32, #tpu.memory_space<vmem>>) semaphore(%arg11 : memref<!tpu.dma_semaphore, #tpu.memory_space<semaphore_mem>>)
    %dma_start3A_5 = arith.constant 0 : i32
    %dma_start3A_6 = arith.constant 0 : i32
    %dma_start3A_7 = tpu.memref_slice %arg4[%dma_start3A_5, %dma_start3A_6] : memref<100000x128xf32, #tpu.memory_space<hbm>> -> memref<100000x128xf32, #tpu.memory_space<hbm>>
    tpu.enqueue_indirect_dma source(%dma_start3A_7 : memref<100000x128xf32, #tpu.memory_space<hbm>>) target(%arg10 : memref<128x128xf32, #tpu.memory_space<vmem>>) offsets(%arg9 : memref<128xi32, #tpu.memory_space<vmem>>) semaphore(%arg12 : memref<!tpu.dma_semaphore, #tpu.memory_space<semaphore_mem>>)
    %dma_wait3A = arith.constant 0 : i32
    %dma_wait3A_8 = arith.constant 0 : i32
    %dma_wait3A_9 = tpu.memref_slice %arg4[%dma_wait3A, %dma_wait3A_8] : memref<100000x128xf32, #tpu.memory_space<hbm>> -> memref<100000x128xf32, #tpu.memory_space<hbm>>
    tpu.wait_indirect_dma semaphore(%arg11 : memref<!tpu.dma_semaphore, #tpu.memory_space<semaphore_mem>>) src(%dma_wait3A_9 : memref<100000x128xf32, #tpu.memory_space<hbm>>) dst(%arg8 : memref<128x128xf32, #tpu.memory_space<vmem>>)
    "tpu.region"() ({
      %run_scoped3A = tpu.sem_alloc : memref<!tpu.dma_semaphore, #tpu.memory_space<semaphore_mem>>
      %dma_start3A_13 = arith.constant 0 : i32
      %dma_start3A_14 = tpu.memref_slice %arg5[%mul3A_2, %dma_start3A_13] : memref<4096x128xf32, #tpu.memory_space<hbm>> -> memref<128x128xf32, #tpu.memory_space<hbm>>
      %dma_start3A_15 = arith.constant 0 : i32
      %dma_start3A_16 = tpu.memref_slice %arg5[%mul3A_2, %dma_start3A_15] : memref<4096x128xf32, #tpu.memory_space<hbm>> -> memref<128x128xf32, #tpu.memory_space<hbm>>
      tpu.enqueue_dma source(%arg8 : memref<128x128xf32, #tpu.memory_space<vmem>>) target(%dma_start3A_16 : memref<128x128xf32, #tpu.memory_space<hbm>>) target_semaphore(%run_scoped3A : memref<!tpu.dma_semaphore, #tpu.memory_space<semaphore_mem>>)
      %dma_wait3A_17 = arith.constant 0 : i32
      %dma_wait3A_18 = tpu.memref_slice %arg5[%mul3A_2, %dma_wait3A_17] : memref<4096x128xf32, #tpu.memory_space<hbm>> -> memref<128x128xf32, #tpu.memory_space<hbm>>
      %dma_wait3A_19 = arith.constant 0 : i32
      %dma_wait3A_20 = tpu.memref_slice %arg5[%mul3A_2, %dma_wait3A_19] : memref<4096x128xf32, #tpu.memory_space<hbm>> -> memref<128x128xf32, #tpu.memory_space<hbm>>
      tpu.wait_dma2 semaphore(%run_scoped3A : memref<!tpu.dma_semaphore, #tpu.memory_space<semaphore_mem>>) src(%arg8 : memref<128x128xf32, #tpu.memory_space<vmem>>) dst(%dma_wait3A_20 : memref<128x128xf32, #tpu.memory_space<hbm>>)
      tpu.yield
    }) : () -> ()
    %dma_wait3A_10 = arith.constant 0 : i32
    %dma_wait3A_11 = arith.constant 0 : i32
    %dma_wait3A_12 = tpu.memref_slice %arg4[%dma_wait3A_10, %dma_wait3A_11] : memref<100000x128xf32, #tpu.memory_space<hbm>> -> memref<100000x128xf32, #tpu.memory_space<hbm>>
    tpu.wait_indirect_dma semaphore(%arg12 : memref<!tpu.dma_semaphore, #tpu.memory_space<semaphore_mem>>) src(%dma_wait3A_12 : memref<100000x128xf32, #tpu.memory_space<hbm>>) dst(%arg10 : memref<128x128xf32, #tpu.memory_space<vmem>>)
    "tpu.region"() ({
      %run_scoped3A = tpu.sem_alloc : memref<!tpu.dma_semaphore, #tpu.memory_space<semaphore_mem>>
      %dma_start3A_13 = arith.constant 0 : i32
      %dma_start3A_14 = tpu.memref_slice %arg6[%mul3A_2, %dma_start3A_13] : memref<4096x128xf32, #tpu.memory_space<hbm>> -> memref<128x128xf32, #tpu.memory_space<hbm>>
      %dma_start3A_15 = arith.constant 0 : i32
      %dma_start3A_16 = tpu.memref_slice %arg6[%mul3A_2, %dma_start3A_15] : memref<4096x128xf32, #tpu.memory_space<hbm>> -> memref<128x128xf32, #tpu.memory_space<hbm>>
      tpu.enqueue_dma source(%arg10 : memref<128x128xf32, #tpu.memory_space<vmem>>) target(%dma_start3A_16 : memref<128x128xf32, #tpu.memory_space<hbm>>) target_semaphore(%run_scoped3A : memref<!tpu.dma_semaphore, #tpu.memory_space<semaphore_mem>>)
      %dma_wait3A_17 = arith.constant 0 : i32
      %dma_wait3A_18 = tpu.memref_slice %arg6[%mul3A_2, %dma_wait3A_17] : memref<4096x128xf32, #tpu.memory_space<hbm>> -> memref<128x128xf32, #tpu.memory_space<hbm>>
      %dma_wait3A_19 = arith.constant 0 : i32
      %dma_wait3A_20 = tpu.memref_slice %arg6[%mul3A_2, %dma_wait3A_19] : memref<4096x128xf32, #tpu.memory_space<hbm>> -> memref<128x128xf32, #tpu.memory_space<hbm>>
      tpu.wait_dma2 semaphore(%run_scoped3A : memref<!tpu.dma_semaphore, #tpu.memory_space<semaphore_mem>>) src(%arg10 : memref<128x128xf32, #tpu.memory_space<vmem>>) dst(%dma_wait3A_20 : memref<128x128xf32, #tpu.memory_space<hbm>>)
      tpu.yield
    }) : () -> ()
    return
  }
}

module attributes {stable_mosaic.version = 14 : i64} {
  func.func @_concat_body(%arg0: i32, %arg1: memref<64x8192xf32, #tpu.memory_space<vmem>>, %arg2: memref<64x8192xf32, #tpu.memory_space<vmem>>, %arg3: memref<8192x128xf32, #tpu.memory_space<vmem>>) attributes {dimension_semantics = [#tpu.dimension_semantics<arbitrary>], iteration_bounds = array<i64: 13>, scalar_prefetch = 0 : i64, scratch_operands = 0 : i64, tpu.core_type = #tpu.core_type<tc>, window_params = [{transform_indices = @transform_0, window_bounds = array<i64: 64, 8192>}, {transform_indices = @transform_1, window_bounds = array<i64: 64, 8192>}, {transform_indices = @transform_2, window_bounds = array<i64: 8192, 128>}]} {
    %get3A = arith.constant 0 : index
    %get3A_0 = arith.constant 0 : index
    %get3A_1 = vector.load %arg1[%get3A, %get3A_0] : memref<64x8192xf32, #tpu.memory_space<vmem>>, vector<64x8192xf32>
    %get3A_2 = arith.constant 0 : index
    %get3A_3 = arith.constant 0 : index
    %get3A_4 = vector.load %arg2[%get3A_2, %get3A_3] : memref<64x8192xf32, #tpu.memory_space<vmem>>, vector<64x8192xf32>
    %concatenate3A = tpu.concatenate %get3A_1, %get3A_4 in 0 : vector<64x8192xf32>, vector<64x8192xf32> -> vector<128x8192xf32>
    %iota3A = tpu.iota {dimensions = array<i32: 0>} : vector<128x128xi32>
    %iota3A_5 = tpu.iota {dimensions = array<i32: 1>} : vector<128x128xi32>
    %eq3A = arith.cmpi eq, %iota3A, %iota3A_5 : vector<128x128xi32>
    %jit3A = arith.constant 1.000000e+00 : f32
    %jit3A_6 = arith.constant 0.000000e+00 : f32
    %broadcast_in_dim3A = vector.broadcast %jit3A : f32 to vector<128x128xf32>
    %broadcast_in_dim3A_7 = vector.broadcast %jit3A_6 : f32 to vector<128x128xf32>
    %select_n3A = arith.select %eq3A, %broadcast_in_dim3A, %broadcast_in_dim3A_7 : vector<128x128xi1>, vector<128x128xf32>
    %dot_general3A = arith.constant dense<0.000000e+00> : vector<8192x128xf32>
    %dot_general3A_8 = tpu.matmul %concatenate3A, %select_n3A, %dot_general3A {dimension_numbers = #tpu.dot_dimension_numbers<[0], [0], [1], [1], [0, 1, 1, 1], [], []>, transpose_lhs_hint = false} : vector<128x8192xf32>, vector<128x128xf32>, vector<8192x128xf32> -> vector<8192x128xf32>
    %swap3A = arith.constant 0 : index
    %swap3A_9 = arith.constant 0 : index
    %swap3A_10 = vector.load %arg3[%swap3A, %swap3A_9] : memref<8192x128xf32, #tpu.memory_space<vmem>>, vector<8192x128xf32>
    tpu.vector_store %arg3[%swap3A, %swap3A_9], %dot_general3A_8 {strides = array<i32>} : memref<8192x128xf32, #tpu.memory_space<vmem>>, vector<8192x128xf32>,
    return
  }
  func.func @transform_0(%arg0: i32) -> (i32, i32) {
    %c0_i32 = arith.constant 0 : i32
    %c0_i32_0 = arith.constant 0 : i32
    return %c0_i32, %arg0 : i32, i32
  }
  func.func @transform_1(%arg0: i32) -> (i32, i32) {
    %c0_i32 = arith.constant 0 : i32
    %c0_i32_0 = arith.constant 0 : i32
    return %c0_i32, %arg0 : i32, i32
  }
  func.func @transform_2(%arg0: i32) -> (i32, i32) {
    %c0_i32 = arith.constant 0 : i32
    %c0_i32_0 = arith.constant 0 : i32
    return %arg0, %c0_i32 : i32, i32
  }
}

module attributes {stable_mosaic.version = 14 : i64} {
  func.func @_prop_body(%arg0: i32, %arg1: memref<512x2048xf32, #tpu.memory_space<vmem>>, %arg2: memref<512x2048xf32, #tpu.memory_space<vmem>>, %arg3: memref<4096x128xf32, #tpu.memory_space<any>>, %arg4: memref<4096x128xf32, #tpu.memory_space<any>>, %arg5: memref<4096x1xf32, #tpu.memory_space<vmem>>, %arg6: memref<4096x4096xbf16, #tpu.memory_space<vmem>>, %arg7: memref<4096x128xf32, #tpu.memory_space<vmem>>, %arg8: memref<4096x128xf32, #tpu.memory_space<vmem>>, %arg9: memref<4096x64xbf16, #tpu.memory_space<vmem>>, %arg10: memref<4096x64xbf16, #tpu.memory_space<vmem>>, %arg11: memref<4096x64xbf16, #tpu.memory_space<vmem>>, %arg12: memref<4096x64xf32, #tpu.memory_space<vmem>>, %arg13: memref<64x4096xbf16, #tpu.memory_space<vmem>>, %arg14: memref<64x4096xbf16, #tpu.memory_space<vmem>>, %arg15: memref<64x4096xf32, #tpu.memory_space<vmem>>, %arg16: memref<!tpu.dma_semaphore, #tpu.memory_space<semaphore_mem>>, %arg17: memref<!tpu.dma_semaphore, #tpu.memory_space<semaphore_mem>>) attributes {dimension_semantics = [#tpu.dimension_semantics<arbitrary>], iteration_bounds = array<i64: 8>, scalar_prefetch = 0 : i64, scratch_operands = 12 : i64, tpu.core_type = #tpu.core_type<tc>, window_params = [{transform_indices = @transform_0, window_bounds = array<i64: 512, 2048>}, {transform_indices = @transform_1, window_bounds = array<i64: 512, 2048>}, {}, {}, {pipeline_mode = #tpu.pipeline_mode<synchronous>, transform_indices = @transform_4, window_bounds = array<i64: 4096, 1>}]} {
    %mul3A = arith.constant 512 : i32
    %mul3A_0 = arith.muli %arg0, %mul3A : i32
    %get3A = arith.constant 0 : index
    %get3A_1 = arith.constant 0 : index
    %get3A_2 = vector.load %arg1[%get3A, %get3A_1] : memref<512x2048xf32, #tpu.memory_space<vmem>>, vector<512x2048xf32>
    %convert_element_type3A = arith.truncf %get3A_2 : vector<512x2048xf32> to vector<512x2048xbf16>
    %swap3A = arith.index_cast %mul3A_0 : i32 to index
    %swap3A_3 = arith.constant 0 : index
    %swap3A_4 = vector.load %arg6[%swap3A, %swap3A_3] : memref<4096x4096xbf16, #tpu.memory_space<vmem>>, vector<512x2048xbf16>
    tpu.vector_store %arg6[%swap3A, %swap3A_3], %convert_element_type3A {strides = array<i32>} : memref<4096x4096xbf16, #tpu.memory_space<vmem>>, vector<512x2048xbf16>,
    %get3A_5 = arith.constant 0 : index
    %get3A_6 = arith.constant 0 : index
    %get3A_7 = vector.load %arg2[%get3A_5, %get3A_6] : memref<512x2048xf32, #tpu.memory_space<vmem>>, vector<512x2048xf32>
    %convert_element_type3A_8 = arith.truncf %get3A_7 : vector<512x2048xf32> to vector<512x2048xbf16>
    %swap3A_9 = arith.index_cast %mul3A_0 : i32 to index
    %swap3A_10 = arith.constant 2048 : index
    %swap3A_11 = vector.load %arg6[%swap3A_9, %swap3A_10] : memref<4096x4096xbf16, #tpu.memory_space<vmem>>, vector<512x2048xbf16>
    tpu.vector_store %arg6[%swap3A_9, %swap3A_10], %convert_element_type3A_8 {strides = array<i32>} : memref<4096x4096xbf16, #tpu.memory_space<vmem>>, vector<512x2048xbf16>,
    %eq3A = arith.constant 0 : i32
    %eq3A_12 = arith.cmpi eq, %arg0, %eq3A : i32
    %convert_element_type3A_13 = arith.extui %eq3A_12 : i1 to i32
    %cond3A = arith.constant 0 : i32
    %cond3A_14 = arith.cmpi ne, %convert_element_type3A_13, %cond3A : i32
    scf.if %cond3A_14 {
      tpu.enqueue_dma source(%arg3 : memref<4096x128xf32, #tpu.memory_space<any>>) target(%arg7 : memref<4096x128xf32, #tpu.memory_space<vmem>>) target_semaphore(%arg16 : memref<!tpu.dma_semaphore, #tpu.memory_space<semaphore_mem>>)
      tpu.enqueue_dma source(%arg4 : memref<4096x128xf32, #tpu.memory_space<any>>) target(%arg8 : memref<4096x128xf32, #tpu.memory_space<vmem>>) target_semaphore(%arg17 : memref<!tpu.dma_semaphore, #tpu.memory_space<semaphore_mem>>)
      tpu.wait_dma2 semaphore(%arg16 : memref<!tpu.dma_semaphore, #tpu.memory_space<semaphore_mem>>) src(%arg3 : memref<4096x128xf32, #tpu.memory_space<any>>) dst(%arg7 : memref<4096x128xf32, #tpu.memory_space<vmem>>)
      %get3A_37 = arith.constant 0 : index
      %get3A_38 = arith.constant 0 : index
      %get3A_39 = vector.load %arg7[%get3A_37, %get3A_38] : memref<4096x128xf32, #tpu.memory_space<vmem>>, vector<4096x64xf32>
      %convert_element_type3A_40 = arith.truncf %get3A_39 : vector<4096x64xf32> to vector<4096x64xbf16>
      %swap3A_41 = arith.constant 0 : index
      %swap3A_42 = arith.constant 0 : index
      %swap3A_43 = vector.load %arg9[%swap3A_41, %swap3A_42] : memref<4096x64xbf16, #tpu.memory_space<vmem>>, vector<4096x64xbf16>
      tpu.vector_store %arg9[%swap3A_41, %swap3A_42], %convert_element_type3A_40 {strides = array<i32>} : memref<4096x64xbf16, #tpu.memory_space<vmem>>, vector<4096x64xbf16>,
    } else {
    }
    %get3A_15 = arith.index_cast %mul3A_0 : i32 to index
    %get3A_16 = arith.constant 0 : index
    %get3A_17 = vector.load %arg6[%get3A_15, %get3A_16] : memref<4096x4096xbf16, #tpu.memory_space<vmem>>, vector<512x4096xbf16>
    %get3A_18 = arith.constant 0 : index
    %get3A_19 = arith.constant 0 : index
    %get3A_20 = vector.load %arg9[%get3A_18, %get3A_19] : memref<4096x64xbf16, #tpu.memory_space<vmem>>, vector<4096x64xbf16>
    %dot_general3A = arith.constant dense<0.000000e+00> : vector<512x64xf32>
    %dot_general3A_21 = tpu.matmul %get3A_17, %get3A_20, %dot_general3A {dimension_numbers = #tpu.dot_dimension_numbers<[1], [0], [0], [1], [0, 0, 1, 1], [], []>, transpose_lhs_hint = false} : vector<512x4096xbf16>, vector<4096x64xbf16>, vector<512x64xf32> -> vector<512x64xf32>
    %convert_element_type3A_22 = arith.truncf %dot_general3A_21 : vector<512x64xf32> to vector<512x64xbf16>
    %swap3A_23 = arith.index_cast %mul3A_0 : i32 to index
    %swap3A_24 = arith.constant 0 : index
    %swap3A_25 = vector.load %arg10[%swap3A_23, %swap3A_24] : memref<4096x64xbf16, #tpu.memory_space<vmem>>, vector<512x64xbf16>
    tpu.vector_store %arg10[%swap3A_23, %swap3A_24], %convert_element_type3A_22 {strides = array<i32>} : memref<4096x64xbf16, #tpu.memory_space<vmem>>, vector<512x64xbf16>,
    %get3A_26 = arith.index_cast %mul3A_0 : i32 to index
    %get3A_27 = arith.constant 0 : index
    %get3A_28 = vector.load %arg7[%get3A_26, %get3A_27] : memref<4096x128xf32, #tpu.memory_space<vmem>>, vector<512x64xf32>
    %add3A = arith.addf %get3A_28, %dot_general3A_21 : vector<512x64xf32>
    %swap3A_29 = arith.index_cast %mul3A_0 : i32 to index
    %swap3A_30 = arith.constant 0 : index
    %swap3A_31 = vector.load %arg12[%swap3A_29, %swap3A_30] : memref<4096x64xf32, #tpu.memory_space<vmem>>, vector<512x64xf32>
    tpu.vector_store %arg12[%swap3A_29, %swap3A_30], %add3A {strides = array<i32>} : memref<4096x64xf32, #tpu.memory_space<vmem>>, vector<512x64xf32>,
    %eq3A_32 = arith.constant 7 : i32
    %eq3A_33 = arith.cmpi eq, %arg0, %eq3A_32 : i32
    %convert_element_type3A_34 = arith.extui %eq3A_33 : i1 to i32
    %cond3A_35 = arith.constant 0 : i32
    %cond3A_36 = arith.cmpi ne, %convert_element_type3A_34, %cond3A_35 : i32
    scf.if %cond3A_36 {
      tpu.wait_dma2 semaphore(%arg17 : memref<!tpu.dma_semaphore, #tpu.memory_space<semaphore_mem>>) src(%arg4 : memref<4096x128xf32, #tpu.memory_space<any>>) dst(%arg8 : memref<4096x128xf32, #tpu.memory_space<vmem>>)
      %get3A_37 = arith.constant 0 : index
      %get3A_38 = arith.constant 0 : index
      %get3A_39 = vector.load %arg12[%get3A_37, %get3A_38] : memref<4096x64xf32, #tpu.memory_space<vmem>>, vector<4096x1xf32>
      %get3A_40 = arith.constant 0 : index
      %get3A_41 = arith.constant 0 : index
      %get3A_42 = vector.load %arg8[%get3A_40, %get3A_41] : memref<4096x128xf32, #tpu.memory_space<vmem>>, vector<4096x1xf32>
      %add3A_43 = arith.addf %get3A_39, %get3A_42 : vector<4096x1xf32>
      %swap3A_44 = arith.constant 0 : index
      %swap3A_45 = arith.constant 0 : index
      %swap3A_46 = vector.load %arg5[%swap3A_44, %swap3A_45] : memref<4096x1xf32, #tpu.memory_space<vmem>>, vector<4096x1xf32>
      tpu.vector_store %arg5[%swap3A_44, %swap3A_45], %add3A_43 {strides = array<i32>} : memref<4096x1xf32, #tpu.memory_space<vmem>>, vector<4096x1xf32>,
    } else {
    }
    return
  }
  func.func @transform_0(%arg0: i32) -> (i32, i32) {
    %c0_i32 = arith.constant 0 : i32
    %c0_i32_0 = arith.constant 0 : i32
    return %arg0, %c0_i32 : i32, i32
  }
  func.func @transform_1(%arg0: i32) -> (i32, i32) {
    %c1_i32 = arith.constant 1 : i32
    %c0_i32 = arith.constant 0 : i32
    return %arg0, %c1_i32 : i32, i32
  }
  func.func @transform_4(%arg0: i32) -> (i32, i32) {
    %c0_i32 = arith.constant 0 : i32
    %c0_i32_0 = arith.constant 0 : i32
    %c0_i32_1 = arith.constant 0 : i32
    return %c0_i32, %c0_i32_0 : i32, i32
  }
}

</mosaic_0001>

<sc_bundles>
// kernel: kernel.5.cloned.1.call-start
scs
__scs_entry_jumppad:
0x0: {  	(pc) =	sbr.rel $0x88, $3  }
0x1: {  	(tag) =	ssettag $0x0;
	lr =	simm.s32 $0x1  }
0x2: {  	[smem:$0x3F9C] =	sst lr;
	_ =	strace $0xD0000000  }
0x3: {  	_ = 	snop  }
0x4: {  	_ = 	snop  }
0x5: {  	_ = 	snop  }
0x6: {  	_ = 	snop  }
0x7: {  	_ = 	snop  }
__scs_overlays_trampoline_lowered:
0x8: {  	[smem:$0x3FAB] =	sst s0  }
0x9: {  	[smem:$0x3FAC] =	sst s1  }
0xa: {  	[smem:$0x3FAD] =	sst s2  }
0xb: {  	[smem:$0x3FAE] =	sst s3  }
0xc: {  	[smem:$0x3FAF] =	sst s4  }
0xd: {  	[smem:$0x3FB0] =	sst s5  }
0xe: {  	[smem:$0x3FB1] =	sst s6  }
0xf: {  	[smem:$0x3FB2] =	sst s7  }
0x10: {  	[smem:$0x3FB3] =	sst s8  }
0x11: {  	[smem:$0x3FB4] =	sst s9;
	s0 =	simm.s32 @!p0 $0x0  }
0x12: {  	s1 =	sld [smem:$0x3F9A];
	s0 =	simm.s32 @p0 $0x1  }
0x13: {  	[smem:$0x3FB5] =	sst s0;
	s0 =	simm.s32 @!p1 $0x0  }
0x14: {  	s2 =	sld [smem:$0x3F99];
	s0 =	simm.s32 @p1 $0x1  }
0x15: {  	[smem:$0x3FB6] =	sst s0;
	s0 =	simm.s32 @!p2 $0x0  }
0x16: {  	s3 =	sld [smem:$0x3FDB];
	s0 =	simm.s32 @p2 $0x1  }
0x17: {  	s4 =	simm.s32 $0x1BF5;
	[smem:$0x3FB8] =	sst s0  }
0x18: {  	s0 =	sld [smem:$0x3F9B];
	_ =	swait.ge [sflag:s4], $0x0  }
0x19: {  	s7 =	sld [smem:$0x3F9C]  }
0x1a: {  	s8 =	sadd.s32 $0xFFFFE003, lr  }
0x1b: {  	s9 =	sadd.s32 $0xFFFFFEF7, lr;
	s5 =	simm.s32 $0xFFFFFFFF;
	p2 =	slt.u32 s8, $0xFFFFF086  }
0x1c: {  	p1 =	slt.u32 s9, $0xF7A;
	s5 =	simm.s32 @!p2 $0x0  }
0x1d: {  	s5 =	simm.s32 @p1 $0x1;
	p0 =	seq.s32 s7, s2  }
0x1e: {  	s7 =	smul.u32 @!p0 $0xF7A, s2;
	p2 =	seq.s32 @!p0 s5, $0x0  }
0x1f: {  	s9 =	smul.u32 $0xF7A, s1;
	s8 =	simm.s32 @!p0 $0x1BF5;
	p2 =	por !p2, p0  }
0x20: {  	[sflag:s8] =	ssyncset.s32 @!p0 $0xFFFFF086;
	s6 =	sadd.s32 @!p0 s3, s7;
	s7 =	simm.s32 @!p0 $0x108  }
0x21: {  	s3 =	sadd.s32 s3, s9;
	s6 =	sadd.s32 @!p0 $0x88, s6;
	s7 =	simm.s32 @p2 $0x1082  }
0x22: {  	[simem:s7], [sflag:s8] =	dma.local @!p0 [hbm:s6], $0xF7A  }
0x23: {  	s9 =	sor.u32 $0xD0000000, s2;
	s6 =	simm.s32 $0x108;
	_ =	swait.ge @!p0 [sflag:s8], $0x0  }
0x24: {  	s3 =	sadd.s32 $0x88, s3;
	s6 =	simm.s32 @!p1 $0x1082;
	[sflag:s4] =	ssyncset.s32 $0xFFFFF086  }
0x25: {  	[simem:s6], [sflag:s4] =	dma.local [hbm:s3], $0xF7A  }
0x26: {  	[smem:$0x3F9C] =	sst s1;
	(tag) =	ssettag s2;
	_ =	strace s9  }
0x27: {  	s1 =	sld [smem:$0x3FAC]  }
0x28: {  	s2 =	sld [smem:$0x3FAD]  }
0x29: {  	s4 =	sld [smem:$0x3FAF]  }
0x2a: {  	p0 =	seq.s32 s5, $0x0;
	s5 =	sld [smem:$0x3FB0]  }
0x2b: {  	s6 =	sld [smem:$0x3FB1]  }
0x2c: {  	s7 =	sld [smem:$0x3FB2]  }
0x2d: {  	s3 =	simm.s32 $0x108;
	s8 =	sld [smem:$0x3FB3]  }
0x2e: {  	s3 =	simm.s32 @!p0 $0x1082;
	s9 =	sld [smem:$0x3FB4]  }
0x2f: {  	lr =	sadd.s32 s0, s3;
	s0 =	sld [smem:$0x3FAB]  }
0x30: {  	s3 =	sld [smem:$0x3FAE]  }
0x31: {  	[smem:$0x3FB7] =	sst s10  }
0x32: {  	s10 =	sld [smem:$0x3FB5];
	_ =	sdelay $0x3  }
0x33: {  	p0 =	seq.s32 s10, $0x1;
	s10 =	sld [smem:$0x3FB7];
	_ =	sdelay $0x3  }
0x34: {  	[smem:$0x3FB7] =	sst s10  }
0x35: {  	s10 =	sld [smem:$0x3FB6];
	_ =	sdelay $0x3  }
0x36: {  	p1 =	seq.s32 s10, $0x1;
	s10 =	sld [smem:$0x3FB7];
	_ =	sdelay $0x3  }
0x37: {  	[smem:$0x3FB7] =	sst s10  }
0x38: {  	s10 =	sld [smem:$0x3FB8]  }
0x39: {  	_ = 	snop;
	(pc) =	sbr.ind lr, $3  }
0x3a: {  	_ = 	snop  }
0x3b: {  	_ = 	snop  }
0x3c: {  	p2 =	seq.s32 s10, $0x1;
	s10 =	sld [smem:$0x3FB7]  }
0x3d: {  	_ =	shalt  }
0x3e: {  	_ =	shalt  }
0x3f: {  	_ =	shalt  }
0x40: {  	_ =	shalt  }
0x41: {  	_ =	shalt  }
0x42: {  	_ =	shalt  }
0x43: {  	_ =	shalt  }
0x44: {  	_ =	shalt  }
0x45: {  	_ =	shalt  }
0x46: {  	_ =	shalt  }
0x47: {  	_ =	shalt  }
0x48: {  	_ =	shalt  }
0x49: {  	_ =	shalt  }
0x4a: {  	_ =	shalt  }
0x4b: {  	_ =	shalt  }
0x4c: {  	_ =	shalt  }
0x4d: {  	_ =	shalt  }
0x4e: {  	_ =	shalt  }
0x4f: {  	_ =	shalt  }
0x50: {  	_ =	shalt  }
0x51: {  	_ =	shalt  }
0x52: {  	_ =	shalt  }
0x53: {  	_ =	shalt  }
0x54: {  	_ =	shalt  }
0x55: {  	_ =	shalt  }
0x56: {  	_ =	shalt  }
0x57: {  	_ =	shalt  }
0x58: {  	_ =	shalt  }
0x59: {  	_ =	shalt  }
0x5a: {  	_ =	shalt  }
0x5b: {  	_ =	shalt  }
0x5c: {  	_ =	shalt  }
0x5d: {  	_ =	shalt  }
0x5e: {  	_ =	shalt  }
0x5f: {  	_ =	shalt  }
0x60: {  	_ =	shalt  }
0x61: {  	_ =	shalt  }
0x62: {  	_ =	shalt  }
0x63: {  	_ =	shalt  }
0x64: {  	_ =	shalt  }
0x65: {  	_ =	shalt  }
0x66: {  	_ =	shalt  }
0x67: {  	_ =	shalt  }
0x68: {  	_ =	shalt  }
0x69: {  	_ =	shalt  }
0x6a: {  	_ =	shalt  }
0x6b: {  	_ =	shalt  }
0x6c: {  	_ =	shalt  }
0x6d: {  	_ =	shalt  }
0x6e: {  	_ =	shalt  }
0x6f: {  	_ =	shalt  }
0x70: {  	_ =	shalt  }
0x71: {  	_ =	shalt  }
0x72: {  	_ =	shalt  }
0x73: {  	_ =	shalt  }
0x74: {  	_ =	shalt  }
0x75: {  	_ =	shalt  }
0x76: {  	_ =	shalt  }
0x77: {  	_ =	shalt  }
0x78: {  	_ =	shalt  }
0x79: {  	_ =	shalt  }
0x7a: {  	_ =	shalt  }
0x7b: {  	_ =	shalt  }
0x7c: {  	_ =	shalt  }
0x7d: {  	_ =	shalt  }
0x7e: {  	_ =	shalt  }
0x7f: {  	_ =	shalt  }
0x80: {  	_ =	shalt  }
0x81: {  	_ =	shalt  }
0x82: {  	_ =	shalt  }
0x83: {  	_ =	shalt  }
0x84: {  	_ =	shalt  }
0x85: {  	_ =	shalt  }
0x86: {  	_ =	shalt  }
0x87: {  	_ =	shalt  }
.Lfunc_end0:
.L_simem_size_0:
called_computation_lowered:
.L_overlay_start_0:
0x88: {  	s2 =	sld [smem:$0x3FD9]  }
0x89: {  	s3 =	sld [smem:$0x3FFE];
	_ =	sdelay $0x1  }
0x8a: {  	s1 =	srdreg.scid  }
0x8b: {  	s0 =	sand.u32 $0x1, s1  }
0x8c: {  	s17 =	sshll.u32 s0, $0xA;
	s2 =	sadd.s32 s3, s2  }
0x8d: {  	s2 =	sadd.s32 s2, s17  }
0x8e: {  	[smem:$0x3FC3] =	sst s2  }
0x8f: {  	_ = 	snop  }
0x90: {  	s2 =	sld [smem:$0x3FC9]  }
0x91: {  	s18 =	sld [smem:$0x3FC8];
	(tm) =	ssettm $0x1  }
0x92: {  	s4 =	sld [smem:$0x3FFB];
	_ =	sdelay $0x3  }
0x93: {  	_ =	strace s4  }
0x94: {  	s4 =	sld [smem:$0x3FFC];
	_ =	sdelay $0x3  }
0x95: {  	_ =	strace s4  }
0x96: {  	s4 =	sld [smem:$0x3FFD];
	_ =	sdelay $0x3  }
0x97: {  	_ =	strace s4  }
0x98: {  	_ =	strace $0x8FFFFFFF  }
0x99: {  	s19 =	sld [smem:$0x3FDB];
	_ =	sdelay $0x1  }
0x9a: {  	s5 =	simm.s32 $_scs_section_size  }
0x9b: {  	s6 =	simm.s32 $_size__tile_overlayer_lowered;
	s7 =	simm.s32 $_tile_overlayer_lowered  }
0x9c: {  	s22 =	simm.s32 $0x1BFF;
	s21 =	sshll.u32 s7, $0x1;
	s4 =	sadd.s32 s5, s19  }
0x9d: {  	s8 =	simm.s32 $0x0;
	s20 =	sshll.u32 s6, $0x1;
	s6 =	sadd.s32 s21, s4  }
0x9e: {  	[timem:s8], [sflag:s22] =	dma.local [hbm:s6], s20  }
0x9f: {  	_ =	swait.ge [sflag:s22], s20  }
0xa0: {  	s5 =	ssub.s32 $0x0, s20;
	[sflag:s22] =	ssyncset.done $0x0  }
0xa1: {  	[sflag:s22] =	ssyncadd.s32 s5;
	_ =	sdelay $0x1  }
0xa2: {  	s23 =	simm.s32 $0x1B8B  }
0xa3: {  	_ =	swait.ge [sflag:s23], $0x1  }
0xa4: {  	[sflag:s23] =	ssyncset.done $0x0  }
0xa5: {  	s25 =	simm.s32 $0x1B8E;
	s24 =	sld [smem:$0x3FFE];
	[sflag:s23] =	ssyncadd.s32 $0xFFFFFFFF  }
0xa6: {  	s26 =	simm.s32 $execute0_lowered;
	[smem:$0x3FD2] =	sst s25  }
0xa7: {  	s6 =	sshll.u32 s26, $0x1;
	_ =	strace $0x80000046;
	[dreg:$0x1] =	wrdreg $0xFFFFFFFF  }
0xa8: {  	s28 =	simm.s32 $_size_execute0_lowered;
	s4 =	sadd.s32 s4, s6;
	[dreg:$0x0] =	wrdreg $0x0  }
0xa9: {  	s6 =	sshll.u32 s28, $0x1;
	[dreg:$0x2] =	wrdreg s4  }
0xaa: {  	[dreg:$0x3] =	wrdreg s6  }
0xab: {  	[dreg:$0x4] =	wrdreg $0xC0  }
0xac: {  	_ =	task [dreg:s8], $0x5FFFF  }
0xad: {  	[dreg:$0x1] =	wrdreg $0xFFFFFFFF  }
0xae: {  	[dreg:$0x0] =	wrdreg $0x60  }
0xaf: {  	[dreg:$0x2] =	wrdreg s2  }
0xb0: {  	[dreg:$0x3] =	wrdreg s18  }
0xb1: {  	[dreg:$0x4] =	wrdreg s24  }
0xb2: {  	[dreg:$0x5] =	wrdreg $0x9  }
0xb3: {  	_ =	task.clear_ibuf [dreg:s8], $0x6FFFF;
	_ =	strace $0x90000046  }
0xb4: {  	s29 =	simm.s32 $0x9;
	_ =	strace $0x80000048  }
0xb5: {  	_ =	swait.ge [sflag:s29], $0x1  }
0xb6: {  	[sflag:s29] =	ssyncadd.s32 $0xFFFFFFFF  }
0xb7: {  	_ =	strace $0x90000048  }
0xb8: {  	_ =	sfence  }
0xb9: {  	s30 =	sld [smem:$0x0];
	_ =	sdelay $0x2  }
0xba: {  	s31 =	sshll.u32 s1, $0xD;
	s1 =	sshrl.u32 s1, $0x2  }
0xbb: {  	s3 =	sand.u32 $0x4000, s31;
	s1 =	sadd.s32 s1, s30  }
0xbc: {  	s0 =	sor.u32 s3, s0;
	s1 =	sshll.u32 s1, $0x11  }
0xbd: {  	s0 =	sor.u32 s1, s0  }
0xbe: {  	s0 =	sadd.s32 $0x8F2B, s0  }
0xbf: {  	[sflag:s0] =	ssyncadd.remote.s32 $0x1  }
0xc0: {  	_ =	sfence.sel $0xFFFF  }
0xc1: {  	[dreg:$0x0] =	wrdreg $0xFFFFFFFF;
	(pc) =	sbr.abs _section_cstart, $3  }
0xc2: {  	[dreg:$0x1] =	wrdreg $0xFFFFFFFF  }
0xc3: {  	_ =	task.clear_ibuf [dreg:s8], $0x2FFFF;
	_ =	strace $0x9FFFFFFF  }
0xc4: {  	(tm) =	ssettm $0x7FFFFFFF  }
0xc5: {  	_ =	shalt  }
tec
execute0_lowered:
.L_overlay_start_1:
0x0: {  	(tag) =	ssettag $0x1  }
0x1: {  	s3 =	rddreg [dreg:$0x0];
	s1 =	srdreg.scid  }
0x2: {  	s5 =	rddreg [dreg:$0x1];
	s0 =	stileid.u32;
	s12 =	sand.u32 $0x1, s1  }
0x3: {  	s11 =	rddreg [dreg:$0x2];
	s4 =	sshll.u32 s0, $0x8;
	s6 =	sshll.u32 s12, $0x7  }
0x4: {  	s2 =	simm.s32 $0x0;
	s1 =	rddreg [dreg:$0x3];
	s13 =	sor.u32 s6, s4  }
0x5: {  	[smem:$0x7FF] =	sst s2;
	s6 =	sshrl.u32 s13, $0x3  }
0x6: {  	_ =	strace $0x80000047;
	s4 =	sadd.s32 s3, s6;
	s3 =	simm.s32 $0x3  }
0x7: {  	[tilespmem:s2], [sflag:$0x3] =	stream.linear.gather [hbm4b:s4+s2], $0x80, $0x38;
	[tilespmem:$0x8100] =	vst v63  }
0x8: {  	_ =	swait.ge [sflag:s3], $0x80  }
0x9: {  	[sflag:s3] =	ssyncset.done $0x0  }
0xa: {  	s5 =	sadd.s32 s5, s6;
	s6 =	simm.s32 $0x4080;
	[sflag:s3] =	ssyncadd.s32 $0xFFFFFF80  }
0xb: {  	[tilespmem:s6], [sflag:$0x3] =	stream.linear.gather [hbm4b:s5+s2], $0x80, $0x38;
	[tilespmem:$0x8100] =	vst v63  }
0xc: {  	_ =	swait.ge [sflag:s3], $0x80  }
0xd: {  	[sflag:s3] =	ssyncset.done $0x0  }
0xe: {  	s8 =	simm.s32 $0x80;
	s7 =	sadd.s32 $0x400, s11;
	[sflag:s3] =	ssyncadd.s32 $0xFFFFFF80  }
0xf: {  	[tilespmem:s8], [sflag:$0x1] =	stream.indirect.gather [hbm4b:s7+s8], $0x80, s2, s8, $0xb8;
	[tilespmem:$0x8100] =	vst v63  }
0x10: {  	s9 =	simm.s32 $0x4100;
	s10 =	simm.s32 $0x1  }
0x11: {  	[tilespmem:s9], [sflag:$0x2] =	stream.indirect.gather [hbm4b:s7+s8], $0x80, s6, s8, $0xb8;
	[tilespmem:$0x8100] =	vst v63  }
0x12: {  	s13 =	sshll.u32 s13, $0x4;
	_ =	swait.ge [sflag:s10], $0x4000  }
0x13: {  	s13 =	sadd.s32 s13, s11;
	[sflag:s10] =	ssyncset.done $0x0  }
0x14: {  	s14 =	ssub.s32 $0x2, s12;
	s11 =	sadd.s32 $0x186E00, s13;
	[sflag:s10] =	ssyncadd.s32 $0xFFFFC000  }
0x15: {  	[hbm4b:s11+s2] =	stream.linear.scatter [tilespmem:s8], [sflag:$0x3], $0x4000, $0x38;
	[tilespmem:$0x8100] =	vst v63  }
0x16: {  	s15 =	sshrl.u32 s14, $0x1;
	_ =	swait.ge [sflag:s3], $0x4000  }
0x17: {  	s14 =	ssub.s32 s14, s15;
	[sflag:s3] =	ssyncset.done $0x0  }
0x18: {  	s12 =	simm.s32 $0x2;
	s14 =	smax.u32 s14, $0x1;
	[sflag:s3] =	ssyncadd.s32 $0xFFFFC000  }
0x19: {  	p0 =	sne.s32 s14, $0x1;
	_ =	swait.ge [sflag:s12], $0x4000  }
.Ltmp0:
0x1a: {  	[sflag:s12] =	ssyncset.done $0x0;
	(pc) =	sbr.rel @!p0 .LBB2_2-.Ltmp0, $4  }
0x1b: {  	s13 =	sadd.s32 $0x196E00, s13;
	[sflag:s12] =	ssyncadd.s32 $0xFFFFC000  }
0x1c: {  	[hbm4b:s13+s2] =	stream.linear.scatter [tilespmem:s9], [sflag:$0x3], $0x4000, $0x38;
	[tilespmem:$0x8100] =	vst v63  }
0x1d: {  	_ =	swait.ge [sflag:s3], $0x4000  }
0x1e: {  	s14 =	sadd.s32 $0xFFFFFFFF, s14;
	[sflag:s3] =	ssyncset.done $0x0  }
.LBB2_1:
0x1f: {  	p0 =	sne.s32 s14, $0x1;
	s14 =	sadd.s32 $0xFFFFFFFF, s14;
	[sflag:s3] =	ssyncadd.s32 $0xFFFFC000  }
0x20: {  	[tilespmem:s2], [sflag:$0x3] =	stream.linear.gather [hbm4b:s4+s2], $0x80, $0x38;
	[tilespmem:$0x8100] =	vst v63  }
0x21: {  	_ =	swait.ge [sflag:s3], $0x80  }
0x22: {  	[sflag:s3] =	ssyncset.done $0x0  }
0x23: {  	[sflag:s3] =	ssyncadd.s32 $0xFFFFFF80  }
0x24: {  	[tilespmem:s6], [sflag:$0x3] =	stream.linear.gather [hbm4b:s5+s2], $0x80, $0x38;
	[tilespmem:$0x8100] =	vst v63  }
0x25: {  	_ =	swait.ge [sflag:s3], $0x80  }
0x26: {  	[sflag:s3] =	ssyncset.done $0x0  }
0x27: {  	[sflag:s3] =	ssyncadd.s32 $0xFFFFFF80  }
0x28: {  	[tilespmem:s8], [sflag:$0x1] =	stream.indirect.gather [hbm4b:s7+s8], $0x80, s2, s8, $0xb8;
	[tilespmem:$0x8100] =	vst v63  }
0x29: {  	_ = 	snop  }
0x2a: {  	[tilespmem:s9], [sflag:$0x2] =	stream.indirect.gather [hbm4b:s7+s8], $0x80, s6, s8, $0xb8;
	[tilespmem:$0x8100] =	vst v63  }
0x2b: {  	_ =	swait.ge [sflag:s10], $0x4000  }
0x2c: {  	[sflag:s10] =	ssyncset.done $0x0  }
0x2d: {  	[sflag:s10] =	ssyncadd.s32 $0xFFFFC000  }
0x2e: {  	[hbm4b:s11+s2] =	stream.linear.scatter [tilespmem:s8], [sflag:$0x3], $0x4000, $0x38;
	[tilespmem:$0x8100] =	vst v63  }
0x2f: {  	_ =	swait.ge [sflag:s3], $0x4000  }
0x30: {  	[sflag:s3] =	ssyncset.done $0x0  }
0x31: {  	[sflag:s3] =	ssyncadd.s32 $0xFFFFC000  }
0x32: {  	_ =	swait.ge [sflag:s12], $0x4000  }
.Ltmp1:
0x33: {  	[sflag:s12] =	ssyncset.done $0x0;
	(pc) =	sbr.rel @p0 .LBB2_1-.Ltmp1, $4  }
0x34: {  	[sflag:s12] =	ssyncadd.s32 $0xFFFFC000  }
0x35: {  	[hbm4b:s13+s2] =	stream.linear.scatter [tilespmem:s9], [sflag:$0x3], $0x4000, $0x38;
	[tilespmem:$0x8100] =	vst v63  }
0x36: {  	_ =	swait.ge [sflag:s3], $0x4000  }
0x37: {  	[sflag:s3] =	ssyncset.done $0x0  }
.LBB2_2:
0x38: {  	[sflag:s3] =	ssyncadd.s32 $0xFFFFC000  }
0x39: {  	_ =	sfence.sel $0x180000  }
0x3a: {  	[bflag:$0x0] =	sbarrier.arrive $0xFFFF  }
0x3b: {  	p0 =	sne.s32 s0, $0x0;
	_ =	strace $0x90000047  }
0x3c: {  	s0 =	sadd.s32 @!p0 $0x100000, s1;
	[bflag:$0x2] =	sbarrier.arrive $0xFFFF  }
0x3d: {  	[sflag:s0] =	ssyncadd.tile.s32 @!p0 $0x1;
	_ =	shalt  }
.Lfunc_end2:
_tile_overlayer_lowered:
.L_overlay_start_2:
0x3e: {  	(tag) =	ssettag $0x2  }
0x3f: {  	s0 =	rddreg [dreg:$0x0];
	s2 =	stileid.u32  }
0x40: {  	s1 =	rddreg [dreg:$0x1];
	p0 =	sne.s32 s2, $0x0  }
0x41: {  	s3 =	rddreg [dreg:$0x2];
	[bflag:$0x3] =	sbarrier.arrive $0xFFFF;
	s2 =	simm.s32 @!p0 $0x1C03  }
0x42: {  	[timem:s3], [sflag:s2] =	dma.local @!p0 [hbm:s0], s1  }
0x43: {  	s0 =	simm.s32 @!p0 $0x3  }
0x44: {  	_ =	swait.ge @!p0 [sflag:s0], s1  }
0x45: {  	s1 =	ssub.s32 @!p0 $0x0, s1;
	[sflag:s0] =	ssyncset.done @!p0 $0x0  }
0x46: {  	[sflag:s0] =	ssyncadd.s32 @!p0 s1  }
0x47: {  	[bflag:$0x3] =	sbarrier.arrive $0xFFFF  }
0x48: {  	_ =	shalt  }

</sc_bundles>
